<compile_context>
chip_gen: v7x
topology: tpu7x:2x2x1
jax: 0.10.2.dev20260603
libtpu: 0.0.44.dev20260713+nightly
codegen_flags: <defaults>
</compile_context>

<pallas_src>
import jax
import jax.numpy as jnp
from jax.experimental import pallas as pl
from jax.experimental.pallas import tpu as pltpu

_CH = 16
_EMB = 128
_HB = 16
_W = 384


def _fused_kernel(xt, xc, xb, fm, mle, mre, w1, b1, w2, b2, w3, b3, out):
    w = _W
    n = _HB * w
    nh = pl.num_programs(1)
    i = pl.program_id(1)
    top = xt[0] * jnp.where(i > 0, 1.0, 0.0)
    bot = xb[0] * jnp.where(i < nh - 1, 1.0, 0.0)
    xe = jnp.concatenate([top, xc[0], bot], axis=1)

    up = xe[:, w:w + n]
    mid = xe[:, 2 * w:2 * w + n]
    dn = xe[:, 3 * w:3 * w + n]
    ul = xe[:, w + 1:w + 1 + n]
    ur = xe[:, w - 1:w - 1 + n]
    cl = xe[:, 2 * w + 1:2 * w + 1 + n]
    cr = xe[:, 2 * w - 1:2 * w - 1 + n]
    dl = xe[:, 3 * w + 1:3 * w + 1 + n]
    dr = xe[:, 3 * w - 1:3 * w - 1 + n]
    ml = mle[...]
    mr = mre[...]

    gx = (ul + 2.0 * cl + dl) * ml - (ur + 2.0 * cr + dr) * mr
    gy = (dl - ul) * ml + (dr - ur) * mr + 2.0 * (dn - up)

    xa = xe[3:4, :]
    pmf = jnp.maximum(jnp.maximum(xa[:, :n + 2 * w], xa[:, w:n + 3 * w]),
                      xa[:, 2 * w:])
    pooled = jnp.maximum(
        jnp.maximum(pmf[:, w + 1:w + 1 + n] * ml, pmf[:, w - 1:w - 1 + n] * mr),
        pmf[:, w:w + n])
    act = jnp.where((pooled > 0.1) & (fm[0] != 0), 1.0, 0.0)

    f = jnp.concatenate([mid, gx, gy], axis=0)
    prec = jax.lax.Precision.DEFAULT
    h1 = jnp.maximum(
        jnp.dot(w1[...], f, preferred_element_type=jnp.float32, precision=prec)
        + b1[...], 0.0)
    h2 = jnp.maximum(
        jnp.dot(w2[...], h1, preferred_element_type=jnp.float32, precision=prec)
        + b2[...], 0.0)
    u = (jnp.dot(w3[...], h2, preferred_element_type=jnp.float32, precision=prec)
         + b3[...])
    out[0] = u * act


def kernel(x, fire_mask, W1, b1, W2, b2, W3, b3):
    B, C, H, W = x.shape
    nh = H // _HB
    n = _HB * W
    k = _HB // 2
    nhb = H * W // (2 * W)
    xflat = x.reshape(B, C, H * W)
    fmflat = fire_mask.reshape(B, 1, H * W)
    wcol = jnp.arange(n, dtype=jnp.int32) % W
    mle = (wcol != W - 1).astype(jnp.float32).reshape(1, n)
    mre = (wcol != 0).astype(jnp.float32).reshape(1, n)
    b1c = b1.reshape(_EMB, 1)
    b2c = b2.reshape(_EMB, 1)
    b3c = b3.reshape(_CH, 1)

    outf = pl.pallas_call(
        _fused_kernel,
        grid=(B, nh),
        in_specs=[
            pl.BlockSpec((1, C, 2 * W),
                         lambda b, h: (b, 0, jnp.maximum(k * h - 1, 0))),
            pl.BlockSpec((1, C, n), lambda b, h: (b, 0, h)),
            pl.BlockSpec((1, C, 2 * W),
                         lambda b, h: (b, 0, jnp.minimum(k * (h + 1), nhb - 1))),
            pl.BlockSpec((1, 1, n), lambda b, h: (b, 0, h)),
            pl.BlockSpec((1, n), lambda b, h: (0, 0)),
            pl.BlockSpec((1, n), lambda b, h: (0, 0)),
            pl.BlockSpec((_EMB, 3 * _CH), lambda b, h: (0, 0)),
            pl.BlockSpec((_EMB, 1), lambda b, h: (0, 0)),
            pl.BlockSpec((_EMB, _EMB), lambda b, h: (0, 0)),
            pl.BlockSpec((_EMB, 1), lambda b, h: (0, 0)),
            pl.BlockSpec((_CH, _EMB), lambda b, h: (0, 0)),
            pl.BlockSpec((_CH, 1), lambda b, h: (0, 0)),
        ],
        out_specs=pl.BlockSpec((1, C, n), lambda b, h: (b, 0, h)),
        out_shape=jax.ShapeDtypeStruct((B, C, H * W), jnp.float32),
        compiler_params=pltpu.CompilerParams(
            dimension_semantics=("parallel", "arbitrary")),
    )(xflat, xflat, xflat, fmflat, mle, mre, W1, b1c, W2, b2c, W3, b3c)
    return outf.reshape(B, C, H, W)

# --- scband reference (transcript-rebuilt; emitter-appended) ---
"""Pipeline reference for scband-adaptive-sparse-update-rule-16690242913116 (READ-ONLY COPY).

The authoritative reference and input builder live on the scoring server;
editing this copy changes nothing except your own understanding.
"""

import jax, jax.numpy as jnp
import numpy as np

CHANNEL_N = 16
EMBED = 128


def _sobel_kernels():
    sx = jnp.array([[-1.0, 0.0, 1.0], [-2.0, 0.0, 2.0], [-1.0, 0.0, 1.0]], dtype=jnp.float32)
    sy = sx.T
    sx = jnp.tile(sx[None, None], (CHANNEL_N, 1, 1, 1))
    sy = jnp.tile(sy[None, None], (CHANNEL_N, 1, 1, 1))
    return sx, sy


def _depthwise(x, k):
    return jax.lax.conv_general_dilated(
        x, k, window_strides=(1, 1), padding='SAME',
        feature_group_count=CHANNEL_N,
        dimension_numbers=('NCHW', 'OIHW', 'NCHW'))


def setup_inputs(seed: int = 0) -> dict:
    key = jax.random.key(seed)
    ks = jax.random.split(key, 9)
    B, H, W = 4, 384, 384
    x = jax.random.normal(ks[0], (B, CHANNEL_N, H, W), dtype=jnp.float32)
    fire_mask = jax.random.randint(ks[1], (B, 1, H, W), 0, 2).astype(jnp.int32)
    d_in = CHANNEL_N * 3
    W1 = jax.random.normal(ks[2], (EMBED, d_in), dtype=jnp.float32) / np.sqrt(d_in)
    b1 = jax.random.normal(ks[3], (EMBED,), dtype=jnp.float32) * 0.01
    W2 = jax.random.normal(ks[4], (EMBED, EMBED), dtype=jnp.float32) / np.sqrt(EMBED)
    b2 = jax.random.normal(ks[5], (EMBED,), dtype=jnp.float32) * 0.01
    W3 = jax.random.normal(ks[6], (CHANNEL_N, EMBED), dtype=jnp.float32) / np.sqrt(EMBED)
    b3 = jax.random.normal(ks[7], (CHANNEL_N,), dtype=jnp.float32) * 0.01
    return {"x": x, "fire_mask": fire_mask, "W1": W1, "b1": b1, "W2": W2, "b2": b2, "W3": W3, "b3": b3}


def reference(x, fire_mask, W1, b1, W2, b2, W3, b3):
    sx, sy = _sobel_kernels()
    gx = _depthwise(x, sx)
    gy = _depthwise(x, sy)
    features = jnp.concatenate([x, gx, gy], axis=1)
    alpha = x[:, 3:4, :, :]
    pooled = jax.lax.reduce_window(alpha, -jnp.inf, jax.lax.max,
                                   (1, 1, 3, 3), (1, 1, 1, 1), 'SAME')
    alive = (pooled > 0.1).astype(jnp.float32)
    combined = fire_mask.astype(jnp.float32) * alive
    B, C, H, Wd = features.shape
    f_hw = jnp.transpose(features, (0, 2, 3, 1))
    m_hw = jnp.transpose(combined, (0, 2, 3, 1))[..., 0]
    active = (m_hw != 0).astype(features.dtype)
    h1 = jax.nn.relu(f_hw @ W1.T + b1)
    h2 = jax.nn.relu(h1 @ W2.T + b2)
    upd = h2 @ W3.T + b3
    updates_hw = upd * active[..., None]
    return jnp.transpose(updates_hw, (0, 3, 1, 2))

if __name__ == "__main__":
    import jax
    _d = setup_inputs()
    print(jax.jit(kernel)(*tuple(_d.values())))

</pallas_src>

<mosaic_0001>
module attributes {stable_mosaic.version = 14 : i64} {
  func.func @_fused_kernel(%arg0: i32, %arg1: i32, %arg2: memref<1x16x768xf32, #tpu.memory_space<vmem>>, %arg3: memref<1x16x6144xf32, #tpu.memory_space<vmem>>, %arg4: memref<1x16x768xf32, #tpu.memory_space<vmem>>, %arg5: memref<1x1x6144xi32, #tpu.memory_space<vmem>>, %arg6: memref<1x6144xf32, #tpu.memory_space<vmem>>, %arg7: memref<1x6144xf32, #tpu.memory_space<vmem>>, %arg8: memref<128x48xf32, #tpu.memory_space<vmem>>, %arg9: memref<128x1xf32, #tpu.memory_space<vmem>>, %arg10: memref<128x128xf32, #tpu.memory_space<vmem>>, %arg11: memref<128x1xf32, #tpu.memory_space<vmem>>, %arg12: memref<16x128xf32, #tpu.memory_space<vmem>>, %arg13: memref<16x1xf32, #tpu.memory_space<vmem>>, %arg14: memref<1x16x6144xf32, #tpu.memory_space<vmem>>) attributes {dimension_semantics = [#tpu.dimension_semantics<parallel>, #tpu.dimension_semantics<arbitrary>], iteration_bounds = array<i64: 4, 24>, scalar_prefetch = 0 : i64, scratch_operands = 0 : i64, tpu.core_type = #tpu.core_type<tc>, window_params = [{transform_indices = @transform_0, window_bounds = array<i64: 1, 16, 768>}, {transform_indices = @transform_1, window_bounds = array<i64: 1, 16, 6144>}, {transform_indices = @transform_2, window_bounds = array<i64: 1, 16, 768>}, {transform_indices = @transform_3, window_bounds = array<i64: 1, 1, 6144>}, {pipeline_mode = #tpu.pipeline_mode<synchronous>, transform_indices = @transform_4, window_bounds = array<i64: 1, 6144>}, {pipeline_mode = #tpu.pipeline_mode<synchronous>, transform_indices = @transform_5, window_bounds = array<i64: 1, 6144>}, {pipeline_mode = #tpu.pipeline_mode<synchronous>, transform_indices = @transform_6, window_bounds = array<i64: 128, 48>}, {pipeline_mode = #tpu.pipeline_mode<synchronous>, transform_indices = @transform_7, window_bounds = array<i64: 128, 1>}, {pipeline_mode = #tpu.pipeline_mode<synchronous>, transform_indices = @transform_8, window_bounds = array<i64: 128, 128>}, {pipeline_mode = #tpu.pipeline_mode<synchronous>, transform_indices = @transform_9, window_bounds = array<i64: 128, 1>}, {pipeline_mode = #tpu.pipeline_mode<synchronous>, transform_indices = @transform_10, window_bounds = array<i64: 16, 128>}, {pipeline_mode = #tpu.pipeline_mode<synchronous>, transform_indices = @transform_11, window_bounds = array<i64: 16, 1>}, {transform_indices = @transform_12, window_bounds = array<i64: 1, 16, 6144>}]} {
    %get3A = arith.constant 0 : index
    %get3A_0 = arith.constant 0 : index
    %get3A_1 = arith.constant 0 : index
    %get3A_2 = vector.load %arg2[%get3A, %get3A_0, %get3A_1] : memref<1x16x768xf32, #tpu.memory_space<vmem>>, vector<1x16x768xf32>
    %get3A_3 = vector.shape_cast %get3A_2 : vector<1x16x768xf32> to vector<16x768xf32>
    %gt3A = arith.constant 0 : i32
    %gt3A_4 = arith.cmpi sgt, %arg1, %gt3A : i32
    %jit3A = arith.constant 1.000000e+00 : f32
    %jit3A_5 = arith.constant 0.000000e+00 : f32
    %select_n3A = arith.select %gt3A_4, %jit3A, %jit3A_5 : f32
    %mul3A = vector.broadcast %select_n3A : f32 to vector<16x768xf32>
    %mul3A_6 = arith.mulf %get3A_3, %mul3A : vector<16x768xf32>
    %get3A_7 = arith.constant 0 : index
    %get3A_8 = arith.constant 0 : index
    %get3A_9 = arith.constant 0 : index
    %get3A_10 = vector.load %arg4[%get3A_7, %get3A_8, %get3A_9] : memref<1x16x768xf32, #tpu.memory_space<vmem>>, vector<1x16x768xf32>
    %get3A_11 = vector.shape_cast %get3A_10 : vector<1x16x768xf32> to vector<16x768xf32>
    %lt3A = arith.constant 23 : i32
    %lt3A_12 = arith.cmpi slt, %arg1, %lt3A : i32
    %jit3A_13 = arith.constant 1.000000e+00 : f32
    %jit3A_14 = arith.constant 0.000000e+00 : f32
    %select_n3A_15 = arith.select %lt3A_12, %jit3A_13, %jit3A_14 : f32
    %mul3A_16 = vector.broadcast %select_n3A_15 : f32 to vector<16x768xf32>
    %mul3A_17 = arith.mulf %get3A_11, %mul3A_16 : vector<16x768xf32>
    %get3A_18 = arith.constant 0 : index
    %get3A_19 = arith.constant 0 : index
    %get3A_20 = arith.constant 0 : index
    %get3A_21 = vector.load %arg3[%get3A_18, %get3A_19, %get3A_20] : memref<1x16x6144xf32, #tpu.memory_space<vmem>>, vector<1x16x6144xf32>
    %get3A_22 = vector.shape_cast %get3A_21 : vector<1x16x6144xf32> to vector<16x6144xf32>
    %concatenate3A = tpu.concatenate %mul3A_6, %get3A_22, %mul3A_17 in 1 : vector<16x768xf32>, vector<16x6144xf32>, vector<16x768xf32> -> vector<16x7680xf32>
    %slice3A = vector.extract_strided_slice %concatenate3A {offsets = [0, 384], sizes = [16, 6144], strides = [1, 1]} : vector<16x7680xf32> to vector<16x6144xf32>
    %slice3A_23 = vector.extract_strided_slice %concatenate3A {offsets = [0, 768], sizes = [16, 6144], strides = [1, 1]} : vector<16x7680xf32> to vector<16x6144xf32>
    %slice3A_24 = vector.extract_strided_slice %concatenate3A {offsets = [0, 1152], sizes = [16, 6144], strides = [1, 1]} : vector<16x7680xf32> to vector<16x6144xf32>
    %slice3A_25 = vector.extract_strided_slice %concatenate3A {offsets = [0, 385], sizes = [16, 6144], strides = [1, 1]} : vector<16x7680xf32> to vector<16x6144xf32>
    %slice3A_26 = vector.extract_strided_slice %concatenate3A {offsets = [0, 383], sizes = [16, 6144], strides = [1, 1]} : vector<16x7680xf32> to vector<16x6144xf32>
    %slice3A_27 = vector.extract_strided_slice %concatenate3A {offsets = [0, 769], sizes = [16, 6144], strides = [1, 1]} : vector<16x7680xf32> to vector<16x6144xf32>
    %slice3A_28 = vector.extract_strided_slice %concatenate3A {offsets = [0, 767], sizes = [16, 6144], strides = [1, 1]} : vector<16x7680xf32> to vector<16x6144xf32>
    %slice3A_29 = vector.extract_strided_slice %concatenate3A {offsets = [0, 1153], sizes = [16, 6144], strides = [1, 1]} : vector<16x7680xf32> to vector<16x6144xf32>
    %slice3A_30 = vector.extract_strided_slice %concatenate3A {offsets = [0, 1151], sizes = [16, 6144], strides = [1, 1]} : vector<16x7680xf32> to vector<16x6144xf32>
    %get3A_31 = arith.constant 0 : index
    %get3A_32 = arith.constant 0 : index
    %get3A_33 = vector.load %arg6[%get3A_31, %get3A_32] : memref<1x6144xf32, #tpu.memory_space<vmem>>, vector<1x6144xf32>
    %get3A_34 = arith.constant 0 : index
    %get3A_35 = arith.constant 0 : index
    %get3A_36 = vector.load %arg7[%get3A_34, %get3A_35] : memref<1x6144xf32, #tpu.memory_space<vmem>>, vector<1x6144xf32>
    %mul3A_37 = arith.constant 2.000000e+00 : f32
    %mul3A_38 = vector.broadcast %mul3A_37 : f32 to vector<16x6144xf32>
    %mul3A_39 = arith.mulf %mul3A_38, %slice3A_27 : vector<16x6144xf32>
    %add3A = arith.addf %slice3A_25, %mul3A_39 : vector<16x6144xf32>
    %add3A_40 = arith.addf %add3A, %slice3A_29 : vector<16x6144xf32>
    %mul3A_41 = vector.broadcast %get3A_33 : vector<1x6144xf32> to vector<16x6144xf32>
    %mul3A_42 = arith.mulf %add3A_40, %mul3A_41 : vector<16x6144xf32>
    %mul3A_43 = arith.constant 2.000000e+00 : f32
    %mul3A_44 = vector.broadcast %mul3A_43 : f32 to vector<16x6144xf32>
    %mul3A_45 = arith.mulf %mul3A_44, %slice3A_28 : vector<16x6144xf32>
    %add3A_46 = arith.addf %slice3A_26, %mul3A_45 : vector<16x6144xf32>
    %add3A_47 = arith.addf %add3A_46, %slice3A_30 : vector<16x6144xf32>
    %mul3A_48 = vector.broadcast %get3A_36 : vector<1x6144xf32> to vector<16x6144xf32>
    %mul3A_49 = arith.mulf %add3A_47, %mul3A_48 : vector<16x6144xf32>
    %sub3A = arith.subf %mul3A_42, %mul3A_49 : vector<16x6144xf32>
    %sub3A_50 = arith.subf %slice3A_29, %slice3A_25 : vector<16x6144xf32>
    %mul3A_51 = vector.broadcast %get3A_33 : vector<1x6144xf32> to vector<16x6144xf32>
    %mul3A_52 = arith.mulf %sub3A_50, %mul3A_51 : vector<16x6144xf32>
    %sub3A_53 = arith.subf %slice3A_30, %slice3A_26 : vector<16x6144xf32>
    %mul3A_54 = vector.broadcast %get3A_36 : vector<1x6144xf32> to vector<16x6144xf32>
    %mul3A_55 = arith.mulf %sub3A_53, %mul3A_54 : vector<16x6144xf32>
    %add3A_56 = arith.addf %mul3A_52, %mul3A_55 : vector<16x6144xf32>
    %sub3A_57 = arith.subf %slice3A_24, %slice3A : vector<16x6144xf32>
    %mul3A_58 = arith.constant 2.000000e+00 : f32
    %mul3A_59 = vector.broadcast %mul3A_58 : f32 to vector<16x6144xf32>
    %mul3A_60 = arith.mulf %mul3A_59, %sub3A_57 : vector<16x6144xf32>
    %add3A_61 = arith.addf %add3A_56, %mul3A_60 : vector<16x6144xf32>
    %slice3A_62 = vector.extract_strided_slice %concatenate3A {offsets = [3, 0], sizes = [1, 7680], strides = [1, 1]} : vector<16x7680xf32> to vector<1x7680xf32>
    %slice3A_63 = vector.extract_strided_slice %slice3A_62 {offsets = [0, 0], sizes = [1, 6912], strides = [1, 1]} : vector<1x7680xf32> to vector<1x6912xf32>
    %slice3A_64 = vector.extract_strided_slice %slice3A_62 {offsets = [0, 384], sizes = [1, 6912], strides = [1, 1]} : vector<1x7680xf32> to vector<1x6912xf32>
    %max3A = arith.maximumf %slice3A_63, %slice3A_64 : vector<1x6912xf32>
    %slice3A_65 = vector.extract_strided_slice %slice3A_62 {offsets = [0, 768], sizes = [1, 6912], strides = [1, 1]} : vector<1x7680xf32> to vector<1x6912xf32>
    %max3A_66 = arith.maximumf %max3A, %slice3A_65 : vector<1x6912xf32>
    %slice3A_67 = vector.extract_strided_slice %max3A_66 {offsets = [0, 385], sizes = [1, 6144], strides = [1, 1]} : vector<1x6912xf32> to vector<1x6144xf32>
    %mul3A_68 = arith.mulf %slice3A_67, %get3A_33 : vector<1x6144xf32>
    %slice3A_69 = vector.extract_strided_slice %max3A_66 {offsets = [0, 383], sizes = [1, 6144], strides = [1, 1]} : vector<1x6912xf32> to vector<1x6144xf32>
    %mul3A_70 = arith.mulf %slice3A_69, %get3A_36 : vector<1x6144xf32>
    %max3A_71 = arith.maximumf %mul3A_68, %mul3A_70 : vector<1x6144xf32>
    %slice3A_72 = vector.extract_strided_slice %max3A_66 {offsets = [0, 384], sizes = [1, 6144], strides = [1, 1]} : vector<1x6912xf32> to vector<1x6144xf32>
    %max3A_73 = arith.maximumf %max3A_71, %slice3A_72 : vector<1x6144xf32>
    %gt3A_74 = arith.constant 1.000000e-01 : f32
    %gt3A_75 = vector.broadcast %gt3A_74 : f32 to vector<1x6144xf32>
    %gt3A_76 = arith.cmpf ogt, %max3A_73, %gt3A_75 : vector<1x6144xf32>
    %get3A_77 = arith.constant 0 : index
    %get3A_78 = arith.constant 0 : index
    %get3A_79 = arith.constant 0 : index
    %get3A_80 = vector.load %arg5[%get3A_77, %get3A_78, %get3A_79] : memref<1x1x6144xi32, #tpu.memory_space<vmem>>, vector<1x1x6144xi32>
    %get3A_81 = vector.shape_cast %get3A_80 : vector<1x1x6144xi32> to vector<1x6144xi32>
    %ne3A = arith.constant 0 : i32
    %ne3A_82 = vector.broadcast %ne3A : i32 to vector<1x6144xi32>
    %ne3A_83 = arith.cmpi ne, %get3A_81, %ne3A_82 : vector<1x6144xi32>
    %and3A = arith.andi %gt3A_76, %ne3A_83 : vector<1x6144xi1>
    %jit3A_84 = arith.constant 1.000000e+00 : f32
    %jit3A_85 = arith.constant 0.000000e+00 : f32
    %broadcast_in_dim3A = vector.broadcast %jit3A_84 : f32 to vector<1x6144xf32>
    %broadcast_in_dim3A_86 = vector.broadcast %jit3A_85 : f32 to vector<1x6144xf32>
    %select_n3A_87 = arith.select %and3A, %broadcast_in_dim3A, %broadcast_in_dim3A_86 : vector<1x6144xi1>, vector<1x6144xf32>
    %concatenate3A_88 = tpu.concatenate %slice3A_23, %sub3A, %add3A_61 in 0 : vector<16x6144xf32>, vector<16x6144xf32>, vector<16x6144xf32> -> vector<48x6144xf32>
    %get3A_89 = arith.constant 0 : index
    %get3A_90 = arith.constant 0 : index
    %get3A_91 = vector.load %arg8[%get3A_89, %get3A_90] : memref<128x48xf32, #tpu.memory_space<vmem>>, vector<128x48xf32>
    %dot_general3A = arith.constant dense<0.000000e+00> : vector<128x6144xf32>
    %dot_general3A_92 = tpu.matmul %get3A_91, %concatenate3A_88, %dot_general3A {dimension_numbers = #tpu.dot_dimension_numbers<[1], [0], [0], [1], [0, 0, 1, 1], [], []>, transpose_lhs_hint = false} : vector<128x48xf32>, vector<48x6144xf32>, vector<128x6144xf32> -> vector<128x6144xf32>
    %get3A_93 = arith.constant 0 : index
    %get3A_94 = arith.constant 0 : index
    %get3A_95 = vector.load %arg9[%get3A_93, %get3A_94] : memref<128x1xf32, #tpu.memory_space<vmem>>, vector<128x1xf32>
    %add3A_96 = vector.broadcast %get3A_95 : vector<128x1xf32> to vector<128x6144xf32>
    %add3A_97 = arith.addf %dot_general3A_92, %add3A_96 : vector<128x6144xf32>
    %max3A_98 = arith.constant 0.000000e+00 : f32
    %max3A_99 = vector.broadcast %max3A_98 : f32 to vector<128x6144xf32>
    %max3A_100 = arith.maximumf %add3A_97, %max3A_99 : vector<128x6144xf32>
    %get3A_101 = arith.constant 0 : index
    %get3A_102 = arith.constant 0 : index
    %get3A_103 = vector.load %arg10[%get3A_101, %get3A_102] : memref<128x128xf32, #tpu.memory_space<vmem>>, vector<128x128xf32>
    %dot_general3A_104 = arith.constant dense<0.000000e+00> : vector<128x6144xf32>
    %dot_general3A_105 = tpu.matmul %get3A_103, %max3A_100, %dot_general3A_104 {dimension_numbers = #tpu.dot_dimension_numbers<[1], [0], [0], [1], [0, 0, 1, 1], [], []>, transpose_lhs_hint = false} : vector<128x128xf32>, vector<128x6144xf32>, vector<128x6144xf32> -> vector<128x6144xf32>
    %get3A_106 = arith.constant 0 : index
    %get3A_107 = arith.constant 0 : index
    %get3A_108 = vector.load %arg11[%get3A_106, %get3A_107] : memref<128x1xf32, #tpu.memory_space<vmem>>, vector<128x1xf32>
    %add3A_109 = vector.broadcast %get3A_108 : vector<128x1xf32> to vector<128x6144xf32>
    %add3A_110 = arith.addf %dot_general3A_105, %add3A_109 : vector<128x6144xf32>
    %max3A_111 = arith.constant 0.000000e+00 : f32
    %max3A_112 = vector.broadcast %max3A_111 : f32 to vector<128x6144xf32>
    %max3A_113 = arith.maximumf %add3A_110, %max3A_112 : vector<128x6144xf32>
    %get3A_114 = arith.constant 0 : index
    %get3A_115 = arith.constant 0 : index
    %get3A_116 = vector.load %arg12[%get3A_114, %get3A_115] : memref<16x128xf32, #tpu.memory_space<vmem>>, vector<16x128xf32>
    %dot_general3A_117 = arith.constant dense<0.000000e+00> : vector<16x6144xf32>
    %dot_general3A_118 = tpu.matmul %get3A_116, %max3A_113, %dot_general3A_117 {dimension_numbers = #tpu.dot_dimension_numbers<[1], [0], [0], [1], [0, 0, 1, 1], [], []>, transpose_lhs_hint = false} : vector<16x128xf32>, vector<128x6144xf32>, vector<16x6144xf32> -> vector<16x6144xf32>
    %get3A_119 = arith.constant 0 : index
    %get3A_120 = arith.constant 0 : index
    %get3A_121 = vector.load %arg13[%get3A_119, %get3A_120] : memref<16x1xf32, #tpu.memory_space<vmem>>, vector<16x1xf32>
    %add3A_122 = vector.broadcast %get3A_121 : vector<16x1xf32> to vector<16x6144xf32>
    %add3A_123 = arith.addf %dot_general3A_118, %add3A_122 : vector<16x6144xf32>
    %mul3A_124 = vector.broadcast %select_n3A_87 : vector<1x6144xf32> to vector<16x6144xf32>
    %mul3A_125 = arith.mulf %add3A_123, %mul3A_124 : vector<16x6144xf32>
    %swap3A = arith.constant 0 : index
    %swap3A_126 = arith.constant 0 : index
    %swap3A_127 = arith.constant 0 : index
    %swap3A_128 = vector.load %arg14[%swap3A, %swap3A_126, %swap3A_127] : memref<1x16x6144xf32, #tpu.memory_space<vmem>>, vector<1x16x6144xf32>
    %swap3A_129 = vector.shape_cast %swap3A_128 : vector<1x16x6144xf32> to vector<16x6144xf32>
    %swap3A_130 = vector.shape_cast %mul3A_125 : vector<16x6144xf32> to vector<1x16x6144xf32>
    tpu.vector_store %arg14[%swap3A, %swap3A_126, %swap3A_127], %swap3A_130 {strides = array<i32>} : memref<1x16x6144xf32, #tpu.memory_space<vmem>>, vector<1x16x6144xf32>,
    return
  }
  func.func @transform_0(%arg0: i32, %arg1: i32) -> (i32, i32, i32) {
    %mul3A = arith.constant 8 : i32
    %mul3A_0 = arith.muli %mul3A, %arg1 : i32
    %sub3A = arith.constant 1 : i32
    %sub3A_1 = arith.subi %mul3A_0, %sub3A : i32
    %max3A = arith.constant 0 : i32
    %max3A_2 = arith.maxsi %sub3A_1, %max3A : i32
    %c0_i32 = arith.constant 0 : i32
    %c0_i32_3 = arith.constant 0 : i32
    return %arg0, %c0_i32, %max3A_2 : i32, i32, i32
  }
  func.func @transform_1(%arg0: i32, %arg1: i32) -> (i32, i32, i32) {
    %c0_i32 = arith.constant 0 : i32
    %c0_i32_0 = arith.constant 0 : i32
    return %arg0, %c0_i32, %arg1 : i32, i32, i32
  }
  func.func @transform_2(%arg0: i32, %arg1: i32) -> (i32, i32, i32) {
    %add3A = arith.constant 1 : i32
    %add3A_0 = arith.addi %arg1, %add3A : i32
    %mul3A = arith.constant 8 : i32
    %mul3A_1 = arith.muli %mul3A, %add3A_0 : i32
    %min3A = arith.constant 191 : i32
    %min3A_2 = arith.minsi %mul3A_1, %min3A : i32
    %c0_i32 = arith.constant 0 : i32
    %c0_i32_3 = arith.constant 0 : i32
    return %arg0, %c0_i32, %min3A_2 : i32, i32, i32
  }
  func.func @transform_3(%arg0: i32, %arg1: i32) -> (i32, i32, i32) {
    %c0_i32 = arith.constant 0 : i32
    %c0_i32_0 = arith.constant 0 : i32
    return %arg0, %c0_i32, %arg1 : i32, i32, i32
  }
  func.func @transform_4(%arg0: i32, %arg1: i32) -> (i32, i32) {
    %c0_i32 = arith.constant 0 : i32
    %c0_i32_0 = arith.constant 0 : i32
    %c0_i32_1 = arith.constant 0 : i32
    return %c0_i32, %c0_i32_0 : i32, i32
  }
  func.func @transform_5(%arg0: i32, %arg1: i32) -> (i32, i32) {
    %c0_i32 = arith.constant 0 : i32
    %c0_i32_0 = arith.constant 0 : i32
    %c0_i32_1 = arith.constant 0 : i32
    return %c0_i32, %c0_i32_0 : i32, i32
  }
  func.func @transform_6(%arg0: i32, %arg1: i32) -> (i32, i32) {
    %c0_i32 = arith.constant 0 : i32
    %c0_i32_0 = arith.constant 0 : i32
    %c0_i32_1 = arith.constant 0 : i32
    return %c0_i32, %c0_i32_0 : i32, i32
  }
  func.func @transform_7(%arg0: i32, %arg1: i32) -> (i32, i32) {
    %c0_i32 = arith.constant 0 : i32
    %c0_i32_0 = arith.constant 0 : i32
    %c0_i32_1 = arith.constant 0 : i32
    return %c0_i32, %c0_i32_0 : i32, i32
  }
  func.func @transform_8(%arg0: i32, %arg1: i32) -> (i32, i32) {
    %c0_i32 = arith.constant 0 : i32
    %c0_i32_0 = arith.constant 0 : i32
    %c0_i32_1 = arith.constant 0 : i32
    return %c0_i32, %c0_i32_0 : i32, i32
  }
  func.func @transform_9(%arg0: i32, %arg1: i32) -> (i32, i32) {
    %c0_i32 = arith.constant 0 : i32
    %c0_i32_0 = arith.constant 0 : i32
    %c0_i32_1 = arith.constant 0 : i32
    return %c0_i32, %c0_i32_0 : i32, i32
  }
  func.func @transform_10(%arg0: i32, %arg1: i32) -> (i32, i32) {
    %c0_i32 = arith.constant 0 : i32
    %c0_i32_0 = arith.constant 0 : i32
    %c0_i32_1 = arith.constant 0 : i32
    return %c0_i32, %c0_i32_0 : i32, i32
  }
  func.func @transform_11(%arg0: i32, %arg1: i32) -> (i32, i32) {
    %c0_i32 = arith.constant 0 : i32
    %c0_i32_0 = arith.constant 0 : i32
    %c0_i32_1 = arith.constant 0 : i32
    return %c0_i32, %c0_i32_0 : i32, i32
  }
  func.func @transform_12(%arg0: i32, %arg1: i32) -> (i32, i32, i32) {
    %c0_i32 = arith.constant 0 : i32
    %c0_i32_0 = arith.constant 0 : i32
    return %arg0, %c0_i32, %arg1 : i32, i32, i32
  }
}

</mosaic_0001>

<sc_bundles>
// kernel: sparse-core-data-format-call.cloned.1.call-start
scs
called_computation_lowered:
.L_overlay_start_0:
0x0: {  	s2 =	sld [smem:$0x3FD9]  }
0x1: {  	s3 =	sld [smem:$0x3FFE];
	_ =	sdelay $0x1  }
0x2: {  	s1 =	srdreg.scid  }
0x3: {  	s0 =	sand.u32 $0x1, s1  }
0x4: {  	s18 =	sshll.u32 s0, $0xA;
	s2 =	sadd.s32 s3, s2  }
0x5: {  	s2 =	sadd.s32 s2, s18  }
0x6: {  	[smem:$0x3FC0] =	sst s2  }
0x7: {  	_ = 	snop  }
0x8: {  	s2 =	sld [smem:$0x3FD0];
	(tm) =	ssettm $0x1  }
0x9: {  	s19 =	sld [smem:$0x3FFB];
	_ =	sdelay $0x3  }
0xa: {  	_ =	strace s19  }
0xb: {  	s3 =	sld [smem:$0x3FFC];
	_ =	sdelay $0x3  }
0xc: {  	_ =	strace s3  }
0xd: {  	s3 =	sld [smem:$0x3FFD];
	_ =	sdelay $0x3  }
0xe: {  	_ =	strace s3  }
0xf: {  	_ =	strace $0x8FFFFFFF  }
0x10: {  	s20 =	sld [smem:$0x3FDB];
	_ =	sdelay $0x1  }
0x11: {  	s4 =	simm.s32 $_scs_section_size  }
0x12: {  	s5 =	simm.s32 $_size__tile_overlayer_lowered;
	s6 =	simm.s32 $_tile_overlayer_lowered  }
0x13: {  	s23 =	simm.s32 $0x1BFF;
	s22 =	sshll.u32 s6, $0x1;
	s3 =	sadd.s32 s4, s20  }
0x14: {  	s7 =	simm.s32 $0x0;
	s21 =	sshll.u32 s5, $0x1;
	s5 =	sadd.s32 s22, s3  }
0x15: {  	[timem:s7], [sflag:s23] =	dma.local [hbm:s5], s21  }
0x16: {  	_ =	swait.ge [sflag:s23], s21  }
0x17: {  	s4 =	ssub.s32 $0x0, s21;
	[sflag:s23] =	ssyncset.done $0x0  }
0x18: {  	[sflag:s23] =	ssyncadd.s32 s4;
	_ =	sdelay $0x1  }
0x19: {  	s24 =	simm.s32 $0x1B8B  }
0x1a: {  	_ =	swait.ge [sflag:s24], $0x1  }
0x1b: {  	[sflag:s24] =	ssyncset.done $0x0  }
0x1c: {  	s26 =	simm.s32 $0x1B8E;
	s25 =	sld [smem:$0x3FFE];
	[sflag:s24] =	ssyncadd.s32 $0xFFFFFFFF  }
0x1d: {  	s27 =	simm.s32 $execute0_lowered;
	[smem:$0x3FD2] =	sst s26  }
0x1e: {  	s5 =	sshll.u32 s27, $0x1;
	_ =	strace $0x80000046;
	[dreg:$0x1] =	wrdreg $0xFFFFFFFF  }
0x1f: {  	s28 =	simm.s32 $_size_execute0_lowered;
	s3 =	sadd.s32 s3, s5;
	[dreg:$0x0] =	wrdreg $0x0  }
0x20: {  	s5 =	sshll.u32 s28, $0x1;
	[dreg:$0x2] =	wrdreg s3  }
0x21: {  	[dreg:$0x3] =	wrdreg s5  }
0x22: {  	[dreg:$0x4] =	wrdreg $0xC0  }
0x23: {  	_ =	task [dreg:s7], $0x5FFFF  }
0x24: {  	[dreg:$0x1] =	wrdreg $0xFFFFFFFF  }
0x25: {  	[dreg:$0x0] =	wrdreg $0x60  }
0x26: {  	[dreg:$0x2] =	wrdreg s25  }
0x27: {  	[dreg:$0x3] =	wrdreg s2  }
0x28: {  	[dreg:$0x4] =	wrdreg $0x9  }
0x29: {  	_ =	task.clear_ibuf [dreg:s7], $0x5FFFF;
	_ =	strace $0x90000046  }
0x2a: {  	s29 =	simm.s32 $0x9;
	_ =	strace $0x80000048  }
0x2b: {  	_ =	swait.ge [sflag:s29], $0x1  }
0x2c: {  	[sflag:s29] =	ssyncadd.s32 $0xFFFFFFFF  }
0x2d: {  	_ =	strace $0x90000048  }
0x2e: {  	_ =	sfence  }
0x2f: {  	s30 =	sld [smem:$0x0];
	_ =	sdelay $0x2  }
0x30: {  	s31 =	sshll.u32 s1, $0xD;
	s1 =	sshrl.u32 s1, $0x2  }
0x31: {  	s3 =	sand.u32 $0x4000, s31;
	s1 =	sadd.s32 s1, s30  }
0x32: {  	s0 =	sor.u32 s3, s0;
	s1 =	sshll.u32 s1, $0x11  }
0x33: {  	s0 =	sor.u32 s1, s0  }
0x34: {  	s0 =	sadd.s32 $0x8F2B, s0  }
0x35: {  	[sflag:s0] =	ssyncadd.remote.s32 $0x1  }
0x36: {  	_ =	sfence.sel $0xFFFF  }
0x37: {  	[dreg:$0x0] =	wrdreg $0xFFFFFFFF;
	(pc) =	sbr.abs _section_cstart, $3  }
0x38: {  	[dreg:$0x1] =	wrdreg $0xFFFFFFFF  }
0x39: {  	_ =	task.clear_ibuf [dreg:s7], $0x2FFFF;
	_ =	strace $0x9FFFFFFF  }
0x3a: {  	(tm) =	ssettm $0x7FFFFFFF  }
0x3b: {  	_ =	shalt  }
tec
execute0_lowered:
.L_overlay_start_1:
0x0: {  	(tag) =	ssettag $0x1  }
0x1: {  	s1 =	rddreg [dreg:$0x0]  }
0x2: {  	s2 =	rddreg [dreg:$0x1]  }
0x3: {  	s0 =	rddreg [dreg:$0x2];
	s4 =	srdreg.scid  }
0x4: {  	_ =	strace $0x80000047;
	s7 =	simm.s32 $0x2;
	s15 =	simm.s32 $0x0  }
0x5: {  	p0 =	por $0x0, $0x0;
	s13 =	simm.s32 $0x0;
	s16 =	simm.s32 $0x0  }
0x6: {  	s14 =	simm.s32 $0x0;
	s9 =	simm.s32 $0x0;
	s11 =	simm.s32 $0x0  }
.Ltmp0:
0x7: {  	s3 =	sadd.s32 $0xA00, s1;
	s4 =	sshll.u32 s4, $0x4;
	(pc) =	sbr.rel .LBB1_1-.Ltmp0, $4  }
0x8: {  	s1 =	stileid.u32;
	s5 =	sand.u32 $0x10, s4;
	s4 =	simm.s32 $0x1  }
0x9: {  	s8 =	simm.s32 $0x0;
	s6 =	sor.u32 s1, s5;
	[sflag:s4] =	ssyncpa.u1 $0x0  }
0xa: {  	s5 =	sand.u32 $0x7, s1;
	s6 =	sshrl.u32 s6, $0x3;
	[sflag:s7] =	ssyncpa.u1 $0x0  }
0xb: {  	s7 =	simm.s32 $0xC00;
	s12 =	smov.u32 s5;
	s10 =	smov.u32 s6  }
.LBB1_5:
0xc: {  	s17 =	sadd.s32 $0x80, s9  }
0xd: {  	s13 =	sadd.s32 $0x4, s10;
	s18 =	smov.u32 s10;
	p2 =	sgt.s32 s17, $0x17F  }
0xe: {  	s18 =	smov.u32 @p2 s13  }
0xf: {  	s19 =	smov.u32 s11;
	s13 =	sadd.s32 $0x80, s11;
	p3 =	sgt.s32 s18, $0x7  }
0x10: {  	s19 =	smov.u32 @p3 s13  }
0x11: {  	s20 =	smov.u32 s12;
	s13 =	sadd.s32 $0x8, s12;
	p4 =	sgt.s32 s19, $0x17F  }
0x12: {  	p1 =	slt.u32 s8, $0x2;
	s20 =	smov.u32 @p4 s13  }
0x13: {  	s8 =	sadd.s32 $0x1, s8;
	s17 =	simm.s32 @p2 $0x0;
	p2 =	sgt.s32 s20, $0x7  }
0x14: {  	s15 =	smov.u32 s9;
	s20 =	smov.u32 @p2 s5;
	p2 =	sne.s32 s8, $0x14  }
.Ltmp1:
0x15: {  	s16 =	smov.u32 s11;
	s21 =	simm.s32 @!p1 $0x2;
	(pc) =	sbr.rel @!p2 .LBB1_6-.Ltmp1, $4  }
0x16: {  	s14 =	smov.u32 s12;
	p0 =	por !p0, !p0;
	_ =	swait.ge @!p1 [sflag:s21], $0x4000  }
0x17: {  	[sflag:s21] =	ssyncset.done @!p1 $0x0;
	s9 =	smov.u32 s17;
	s18 =	smov.u32 @p3 s6  }
0x18: {  	[sflag:s21] =	ssyncadd.s32 @!p1 $0xFFFFC000;
	s19 =	simm.s32 @p4 $0x0;
	s13 =	smov.u32 s10  }
0x19: {  	s10 =	smov.u32 s18;
	s11 =	smov.u32 s19;
	s12 =	smov.u32 s20  }
.LBB1_1:
0x1a: {  	p1 =	sgt.u32 s8, $0x11  }
0x1b: {  	s17 =	sshrl.u32 @!p1 s10, $0x3  }
0x1c: {  	s18 =	sshll.u32 @!p1 s9, $0x3;
	s17 =	smul.u32 @!p1 $0xC00, s17  }
0x1d: {  	s19 =	sshll.u32 @!p1 s10, $0x7;
	s18 =	sand.u32 @!p1 $0xFFFFFC00, s18  }
0x1e: {  	s17 =	sadd.s32 @!p1 s17, s18;
	s18 =	sand.u32 @!p1 $0x380, s19  }
0x1f: {  	s19 =	sand.u32 @!p1 $0x7F, s9;
	s17 =	sor.u32 @!p1 s18, s17  }
0x20: {  	s18 =	sor.u32 @!p1 s19, s17  }
0x21: {  	s19 =	smulhi.u32 @!p1 $0xAAAAAAAB, s18  }
0x22: {  	s17 =	smulhi.u32 @!p1 $0xAAAAAAAB, s17  }
0x23: {  	s21 =	smul.u32 @!p1 $0x24000, s12;
	s19 =	sshrl.u32 @!p1 s19, $0x8  }
0x24: {  	s20 =	sxor.u32 @!p1 $0xFFFFFFFF, s8;
	s17 =	sshrl.u32 @!p1 s17, $0x8;
	s19 =	smul.u32 @!p1 $0x180, s19  }
0x25: {  	s22 =	smul.u32 @!p1 $0x180, s11;
	s20 =	sshll.u32 @!p1 s20, $0xE;
	s17 =	sand.u32 @!p1 $0x7, s17  }
0x26: {  	s17 =	smul.u32 @!p1 $0x30, s17;
	s18 =	ssub.s32 @!p1 s18, s19;
	s19 =	sadd.s32 @!p1 s3, s21  }
0x27: {  	s20 =	sand.u32 @!p1 $0x4000, s20;
	s19 =	sadd.s32 @!p1 s22, s19;
	s21 =	sand.u32 @!p1 $0x7, s18  }
0x28: {  	s18 =	sshrl.u32 @!p1 s18, $0x3;
	s17 =	sadd.s32 @!p1 s17, s19;
	s19 =	sshll.u32 @!p1 s21, $0x12  }
0x29: {  	s17 =	sadd.s32 @!p1 s18, s17;
	s18 =	sor.u32 @!p1 $0x80, s19;
	s19 =	simm.s32 @!p1 $0xC00  }
0x2a: {  	[tilespmem:s20], [sflag:$0x1] =	stream.strided.gather @!p1 [hbm4b:s17+s18], $0x4000, s19, s18, $0x38;
	[tilespmem:$0x10000] =	vst v63  }
0x2b: {  	p1 =	seq.s32 s8, $0x0  }
0x2c: {  	p2 =	seq.s32 @!p1 s8, $0x13  }
0x2d: {  	p1 =	por p1, p2  }
.Ltmp2:
0x2e: {  	_ = 	snop;
	(pc) =	sbr.rel @p1 .LBB1_5-.Ltmp2, $1  }
0x2f: {  	_ =	sdelay $0x3  }
0x30: {  	s17 =	simm.s32 $0x1  }
0x31: {  	s17 =	simm.s32 @!p0 $0x0  }
0x32: {  	s17 =	sshll.u32 s17, $0xE  }
0x33: {  	s18 =	sor.u32 $0x70, s17  }
0x34: {  	v1 =	vmov s18;
	_ =	sdelay $0x1  }
0x35: {  	_ =	swait.ge [sflag:s4], $0x4000  }
0x36: {  	[sflag:s4] =	ssyncset.done $0x0  }
0x37: {  	s19 =	simm.s32 $0x0;
	[sflag:s4] =	ssyncadd.s32 $0xFFFFC000  }
0x38: {  	s17 =	sor.u32 $0x8040, s17;
	v6 =	vld.idx.msk [tilespmem:v1+s19+$0x0 ss:$0x1], $0xffff  }
0x39: {  	v0 =	vmov s17;
	v8 =	vld.idx.msk [tilespmem:v1+s19+$0xFFFFFF90 ss:$0x1], $0xffff  }
0x3a: {  	v7 =	vld.idx.msk [tilespmem:v1+s19+$0xFFFFFFA0 ss:$0x1], $0xffff  }
0x3b: {  	v5 =	vld.idx.msk [tilespmem:v1+s19+$0xFFFFFFB0 ss:$0x1], $0xffff  }
0x3c: {  	v4 =	vld.idx.msk [tilespmem:v1+s19+$0xFFFFFFC0 ss:$0x1], $0xffff  }
0x3d: {  	s31 =	sshll.u32 s8, $0xE;
	v2 =	vld.idx.msk [tilespmem:v1+s19+$0xFFFFFFD0 ss:$0x1], $0xffff  }
0x3e: {  	s17 =	sand.u32 $0x4000, s31;
	v3 =	vld.idx.msk [tilespmem:v1+s19+$0xFFFFFFE0 ss:$0x1], $0xffff;
	[tilespmem:v0+s19+$0x30 ss:$0x1] =	vst.idx.msk $0xffff, v6  }
0x3f: {  	s20 =	simm.s32 $0x400;
	s18 =	simm.s32 $0x80;
	s17 =	sor.u32 $0x8000, s17;
	[tilespmem:v0+s19+$0xFFFFFFC0 ss:$0x1] =	vst.idx.msk $0xffff, v8;
	v6 =	vld.idx.msk [tilespmem:v1+s19+$0xFFFFFFF0 ss:$0x1], $0xffff  }
.LBB1_3:
0x40: {  	p1 =	sne.s32 s20, $0xFE00;
	v8 =	vld.idx.msk [tilespmem:v1+s18+$0x0 ss:$0x1], $0xffff;
	[tilespmem:v0+s19+$0xFFFFFFD0 ss:$0x1] =	vst.idx.msk $0xffff, v7  }
0x41: {  	v9 =	vld.idx.msk [tilespmem:v1+s18+$0xFFFFFF90 ss:$0x1], $0xffff;
	[tilespmem:v0+s19+$0xFFFFFFE0 ss:$0x1] =	vst.idx.msk $0xffff, v5  }
0x42: {  	v7 =	vld.idx.msk [tilespmem:v1+s18+$0xFFFFFFA0 ss:$0x1], $0xffff;
	[tilespmem:v0+s19+$0xFFFFFFF0 ss:$0x1] =	vst.idx.msk $0xffff, v4  }
.Ltmp3:
0x43: {  	v5 =	vld.idx.msk [tilespmem:v1+s18+$0xFFFFFFB0 ss:$0x1], $0xffff;
	[tilespmem:v0+s19+$0x0 ss:$0x1] =	vst.idx.msk $0xffff, v2;
	(pc) =	sbr.rel @p1 .LBB1_3-.Ltmp3, $4  }
0x44: {  	v4 =	vld.idx.msk [tilespmem:v1+s18+$0xFFFFFFC0 ss:$0x1], $0xffff;
	[tilespmem:v0+s19+$0x10 ss:$0x1] =	vst.idx.msk $0xffff, v3  }
0x45: {  	v2 =	vld.idx.msk [tilespmem:v1+s18+$0xFFFFFFD0 ss:$0x1], $0xffff;
	[tilespmem:v0+s19+$0x20 ss:$0x1] =	vst.idx.msk $0xffff, v6;
	s19 =	smov.u32 s18  }
0x46: {  	v3 =	vld.idx.msk [tilespmem:v1+s19+$0xFFFFFFE0 ss:$0x1], $0xffff;
	[tilespmem:v0+s19+$0x30 ss:$0x1] =	vst.idx.msk $0xffff, v8  }
0x47: {  	s18 =	sshra.s32 s20, $0x2;
	s20 =	sadd.s32 $0x200, s20;
	[tilespmem:v0+s19+$0xFFFFFFC0 ss:$0x1] =	vst.idx.msk $0xffff, v9;
	v6 =	vld.idx.msk [tilespmem:v1+s19+$0xFFFFFFF0 ss:$0x1], $0xffff  }
0x48: {  	s20 =	sshrl.u32 s16, $0x3  }
0x49: {  	s21 =	sshll.u32 s15, $0x3;
	s20 =	smul.u32 $0xC00, s20  }
0x4a: {  	s26 =	sshll.u32 s16, $0x7;
	s21 =	sand.u32 $0xFFFFFC00, s21  }
0x4b: {  	s16 =	sand.u32 $0x380, s26;
	s20 =	sadd.s32 s20, s21  }
0x4c: {  	[tilespmem:v0+s19+$0xFFFFFFD0 ss:$0x1] =	vst.idx.msk $0xffff, v7;
	s27 =	sand.u32 $0x7F, s15;
	s16 =	sor.u32 s16, s20  }
0x4d: {  	v56 =	vld.idx.msk [tilespmem:v1+s18+$0x0 ss:$0x1], $0xffff;
	[tilespmem:v0+s19+$0xFFFFFFE0 ss:$0x1] =	vst.idx.msk $0xffff, v5;
	s15 =	sor.u32 s27, s16;
	s16 =	smulhi.u32 $0xAAAAAAAB, s16  }
0x4e: {  	v57 =	vld.idx.msk [tilespmem:v1+s18+$0xFFFFFF90 ss:$0x1], $0xffff;
	[tilespmem:v0+s19+$0xFFFFFFF0 ss:$0x1] =	vst.idx.msk $0xffff, v4  }
0x4f: {  	v58 =	vld.idx.msk [tilespmem:v1+s18+$0xFFFFFFA0 ss:$0x1], $0xffff;
	s14 =	smul.u32 $0x24000, s14;
	[tilespmem:v0+s19+$0x0 ss:$0x1] =	vst.idx.msk $0xffff, v2;
	s16 =	sshrl.u32 s16, $0x8  }
0x50: {  	v59 =	vld.idx.msk [tilespmem:v1+s18+$0xFFFFFFB0 ss:$0x1], $0xffff;
	[tilespmem:v0+s19+$0x10 ss:$0x1] =	vst.idx.msk $0xffff, v3;
	s30 =	smulhi.u32 $0xAAAAAB, s16  }
0x51: {  	v60 =	vld.idx.msk [tilespmem:v1+s18+$0xFFFFFFC0 ss:$0x1], $0xffff;
	[tilespmem:v0+s19+$0x20 ss:$0x1] =	vst.idx.msk $0xffff, v6;
	s28 =	smulhi.u32 $0xAAAAAAAB, s15  }
0x52: {  	v61 =	vld.idx.msk [tilespmem:v1+s18+$0xFFFFFFD0 ss:$0x1], $0xffff;
	[tilespmem:v0+s18+$0x30 ss:$0x1] =	vst.idx.msk $0xffff, v56;
	s20 =	smul.u32 $0x180, s30  }
0x53: {  	v62 =	vld.idx.msk [tilespmem:v1+s18+$0xFFFFFFE0 ss:$0x1], $0xffff;
	s13 =	smul.u32 $0x4800, s13;
	[tilespmem:v0+s18+$0xFFFFFFC0 ss:$0x1] =	vst.idx.msk $0xffff, v57;
	s29 =	sshrl.u32 s28, $0x8  }
0x54: {  	v63 =	vld.idx.msk [tilespmem:v1+s18+$0xFFFFFFF0 ss:$0x1], $0xffff;
	[tilespmem:v0+s18+$0xFFFFFFD0 ss:$0x1] =	vst.idx.msk $0xffff, v58;
	s19 =	smul.u32 $0x180, s29;
	s16 =	ssub.s32 s16, s20  }
0x55: {  	[tilespmem:v0+s18+$0xFFFFFFE0 ss:$0x1] =	vst.idx.msk $0xffff, v59;
	s16 =	smul.u32 $0x30, s16  }
.Ltmp4:
0x56: {  	s14 =	sadd.s32 s2, s14;
	[tilespmem:v0+s18+$0xFFFFFFF0 ss:$0x1] =	vst.idx.msk $0xffff, v60;
	s15 =	ssub.s32 s15, s19;
	(pc) =	sbr.rel .LBB1_5-.Ltmp4, $4  }
0x57: {  	s13 =	sadd.s32 s13, s14;
	[tilespmem:v0+s18+$0x0 ss:$0x1] =	vst.idx.msk $0xffff, v61;
	s31 =	sand.u32 $0x7, s15  }
0x58: {  	[tilespmem:v0+s18+$0x10 ss:$0x1] =	vst.idx.msk $0xffff, v62;
	s15 =	sshrl.u32 s15, $0x3;
	s14 =	sshll.u32 s31, $0x12;
	s13 =	sadd.s32 s16, s13  }
0x59: {  	[tilespmem:v0+s18+$0x20 ss:$0x1] =	vst.idx.msk $0xffff, v63;
	s14 =	sor.u32 $0x400, s14;
	s13 =	sadd.s32 s15, s13  }
0x5a: {  	[hbm4b:s13+s14] =	stream.strided.scatter [tilespmem:s17], [sflag:$0x2], $0x4000, s7, s14, $0x38;
	[tilespmem:$0x10000] =	vst v63  }
.LBB1_6:
0x5b: {  	_ =	sfence.sel $0x180000  }
0x5c: {  	s2 =	simm.s32 $0x1;
	[bflag:$0x0] =	sbarrier.arrive $0xFFFF  }
0x5d: {  	s31 =	simm.s32 $0x2;
	[sflag:s2] =	ssyncpa.u1 $0x1  }
0x5e: {  	[sflag:s31] =	ssyncpa.u1 $0x1  }
0x5f: {  	p0 =	sne.s32 s1, $0x0;
	_ =	strace $0x90000047  }
0x60: {  	s0 =	sadd.s32 @!p0 $0x100000, s0;
	[bflag:$0x2] =	sbarrier.arrive $0xFFFF  }
0x61: {  	[sflag:s0] =	ssyncadd.tile.s32 @!p0 $0x1;
	_ =	shalt  }
.Lfunc_end1:
_tile_overlayer_lowered:
.L_overlay_start_2:
0x62: {  	(tag) =	ssettag $0x2  }
0x63: {  	s0 =	rddreg [dreg:$0x0];
	s2 =	stileid.u32  }
0x64: {  	s1 =	rddreg [dreg:$0x1];
	p0 =	sne.s32 s2, $0x0  }
0x65: {  	s3 =	rddreg [dreg:$0x2];
	[bflag:$0x3] =	sbarrier.arrive $0xFFFF;
	s2 =	simm.s32 @!p0 $0x1C01  }
0x66: {  	[timem:s3], [sflag:s2] =	dma.local @!p0 [hbm:s0], s1  }
0x67: {  	s0 =	simm.s32 @!p0 $0x1  }
0x68: {  	_ =	swait.ge @!p0 [sflag:s0], s1  }
0x69: {  	s1 =	ssub.s32 @!p0 $0x0, s1;
	[sflag:s0] =	ssyncset.done @!p0 $0x0  }
0x6a: {  	[sflag:s0] =	ssyncadd.s32 @!p0 s1  }
0x6b: {  	[bflag:$0x3] =	sbarrier.arrive $0xFFFF  }
0x6c: {  	_ =	shalt  }

</sc_bundles>
